<compile_context>
chip_gen: v7x
topology: tpu7x:2x2x1
jax: 0.10.2.dev20260603
libtpu: 0.0.44.dev20260713+nightly
codegen_flags: <defaults>
</compile_context>

<pallas_src>
import jax
import jax.numpy as jnp
from jax import lax
from jax.experimental import pallas as pl
from jax.experimental.pallas import tpu as pltpu
from jax.experimental.pallas import tpu_sc as plsc

_IMG_H = 100.0
_IMG_W = 200.0
_B, _C, _H, _W = 8, 84, 100, 200


def _sc_body(x_hbm, o_hbm, in_v, out_v):
    @pl.when((lax.axis_index("c") == 0) & (lax.axis_index("s") == 0))
    def _():
        pltpu.sync_copy(
            x_hbm.at[pl.ds(0, 1), pl.ds(0, 5), pl.ds(0, 1), pl.ds(0, 128)],
            in_v,
        )
        cx = in_v[0, 0, 0, pl.ds(0, 16)][0]
        cy = in_v[0, 1, 0, pl.ds(0, 16)][0]
        w = in_v[0, 2, 0, pl.ds(0, 16)][0]
        h = in_v[0, 3, 0, pl.ds(0, 16)][0]
        s = in_v[0, 4, 0, pl.ds(0, 16)][0]
        dw = w * 0.5
        dh = h * 0.5
        x1 = jnp.minimum(jnp.maximum(cx - dw, 0.0), _IMG_W)
        y1 = jnp.minimum(jnp.maximum(cy - dh, 0.0), _IMG_H)
        x2 = jnp.minimum(jnp.maximum(cx + dw, 0.0), _IMG_W)
        y2 = jnp.minimum(jnp.maximum(cy + dh, 0.0), _IMG_H)
        lane = lax.iota(jnp.int32, 16)
        row = jnp.zeros((16,), jnp.float32)
        row = jnp.where(lane == 1, x1, row)
        row = jnp.where(lane == 2, y1, row)
        row = jnp.where(lane == 3, x2, row)
        row = jnp.where(lane == 4, y2, row)
        row = jnp.where(lane == 5, s, row)
        out_v[...] = row
        pltpu.sync_copy(out_v.at[pl.ds(0, 7)], o_hbm.at[0])


def kernel(x):
    out = pl.kernel(
        _sc_body,
        out_type=jax.ShapeDtypeStruct((1, 7), jnp.float32),
        mesh=plsc.VectorSubcoreMesh(
            core_axis_name="c",
            subcore_axis_name="s",
            num_cores=1,
            num_subcores=1,
        ),
        scratch_types=[
            pltpu.VMEM((1, 5, 1, 128), jnp.float32),
            pltpu.VMEM((16,), jnp.float32),
        ],
    )(x)
    return out

# --- scband reference (transcript-rebuilt; emitter-appended) ---
"""Pipeline reference for scband-ultralytics-trt10-wrapper-6098853560961 (READ-ONLY COPY).

The authoritative reference and input builder live on the scoring server;
editing this copy changes nothing except your own understanding.
"""

import jax, jax.numpy as jnp
import numpy as np

B, C, H, W = 8, 84, 100, 200

def setup_inputs(seed: int = 0) -> dict:
    key = jax.random.key(seed)
    x = jax.random.uniform(key, (B, C, H, W), dtype=jnp.float32)
    return {"x": x}

def _apply_trt10_nms(boxes, scores):
    # Faithful translation of TRT10_NMS_Op.forward: the PyTorch eager path is a
    # dummy that returns zeros((1, 3), int64); the real NMS only exists in the
    # ONNX symbolic graph. We reproduce the eager-mode math exactly.
    indices = jnp.zeros((1, 3), dtype=jnp.int32)
    batch_ids = indices[:, 0]
    class_ids = indices[:, 1]
    box_ids = indices[:, 2]
    det_boxes = boxes[batch_ids, box_ids]                 # gather [1, 4]
    det_scores = scores[batch_ids, class_ids, box_ids]   # gather [1]
    det_batch_ids = batch_ids.astype(jnp.float32)
    det_classes = class_ids.astype(jnp.float32)
    return jnp.stack([det_batch_ids,
                      det_boxes[:, 0], det_boxes[:, 1],
                      det_boxes[:, 2], det_boxes[:, 3],
                      det_scores, det_classes], axis=1)

def reference(x):
    img_h, img_w = x.shape[2], x.shape[3]
    # model = nn.Flatten(start_dim=2): [B, C, H, W] -> [B, C, H*W]
    y = x.reshape(x.shape[0], x.shape[1], x.shape[2] * x.shape[3])
    y = jnp.transpose(y, (0, 2, 1))          # [B, N, 84]
    bboxes_cxcywh = y[:, :, :4]
    scores = y[:, :, 4:]                      # [B, N, 80] (seg=False)
    dw = bboxes_cxcywh[:, :, 2] / 2.0
    dh = bboxes_cxcywh[:, :, 3] / 2.0
    x1 = jnp.clip(bboxes_cxcywh[:, :, 0] - dw, 0.0, float(img_w))
    y1 = jnp.clip(bboxes_cxcywh[:, :, 1] - dh, 0.0, float(img_h))
    x2 = jnp.clip(bboxes_cxcywh[:, :, 0] + dw, 0.0, float(img_w))
    y2 = jnp.clip(bboxes_cxcywh[:, :, 1] + dh, 0.0, float(img_h))
    bboxes_xyxy = jnp.stack([x1, y1, x2, y2], axis=-1)    # [B, N, 4]
    final_scores_transposed = jnp.transpose(scores, (0, 2, 1))  # [B, 80, N]
    return _apply_trt10_nms(bboxes_xyxy, final_scores_transposed)

if __name__ == "__main__":
    import jax
    _d = setup_inputs()
    print(jax.jit(kernel)(*tuple(_d.values())))

</pallas_src>

<mosaic_0001>
#map = affine_map<(d0, d1) -> (0, 0, 0, 0)>
#map1 = affine_map<(d0, d1) -> (0, 0)>
module attributes {stable_mosaic.version = 14 : i64} {
  func.func @_sc_body(%arg0: i32, %arg1: i32, %arg2: memref<8x84x100x200xf32, #tpu.memory_space<hbm>>, %arg3: memref<1x7xf32, #tpu.memory_space<hbm>>, %arg4: memref<1x5x1x128xf32, #tpu.memory_space<vmem>>, %arg5: memref<16xf32, #tpu.memory_space<vmem>>) attributes {dimension_semantics = [#tpu.dimension_semantics<core_parallel>, #tpu.dimension_semantics<subcore_parallel>], iteration_bounds = array<i64: 1, 1>, scalar_prefetch = 0 : i64, scratch_operands = 2 : i64, tpu.core_type = #tpu.core_type<sc_vector_subcore>, window_params = [{transform_indices = #map}, {transform_indices = #map1}]} {
    %eq3A = arith.constant 0 : i32
    %eq3A_0 = arith.cmpi eq, %arg0, %eq3A : i32
    %eq3A_1 = arith.constant 0 : i32
    %eq3A_2 = arith.cmpi eq, %arg1, %eq3A_1 : i32
    %and3A = arith.andi %eq3A_0, %eq3A_2 : i1
    %convert_element_type3A = arith.extui %and3A : i1 to i32
    %cond3A = arith.constant 0 : i32
    %cond3A_3 = arith.cmpi ne, %convert_element_type3A, %cond3A : i32
    scf.if %cond3A_3 {
      "tpu.region"() ({
        %run_scoped3A_103 = tpu.sem_alloc : memref<!tpu.dma_semaphore, #tpu.memory_space<semaphore_mem>>
        %dma_start3A = arith.constant 0 : i32
        %dma_start3A_104 = arith.constant 0 : i32
        %dma_start3A_105 = arith.constant 0 : i32
        %dma_start3A_106 = arith.constant 0 : i32
        %dma_start3A_107 = tpu.memref_slice %arg2[%dma_start3A, %dma_start3A_104, %dma_start3A_105, %dma_start3A_106] : memref<8x84x100x200xf32, #tpu.memory_space<hbm>> -> memref<1x5x1x128xf32, #tpu.memory_space<hbm>>
        %dma_start3A_108 = arith.constant 0 : i32
        %dma_start3A_109 = arith.constant 0 : i32
        %dma_start3A_110 = arith.constant 0 : i32
        %dma_start3A_111 = arith.constant 0 : i32
        %dma_start3A_112 = tpu.memref_slice %arg2[%dma_start3A_108, %dma_start3A_109, %dma_start3A_110, %dma_start3A_111] : memref<8x84x100x200xf32, #tpu.memory_space<hbm>> -> memref<1x5x1x128xf32, #tpu.memory_space<hbm>>
        tpu.enqueue_dma source(%dma_start3A_112 : memref<1x5x1x128xf32, #tpu.memory_space<hbm>>) target(%arg4 : memref<1x5x1x128xf32, #tpu.memory_space<vmem>>) target_semaphore(%run_scoped3A_103 : memref<!tpu.dma_semaphore, #tpu.memory_space<semaphore_mem>>)
        %dma_wait3A = arith.constant 0 : i32
        %dma_wait3A_113 = arith.constant 0 : i32
        %dma_wait3A_114 = arith.constant 0 : i32
        %dma_wait3A_115 = arith.constant 0 : i32
        %dma_wait3A_116 = tpu.memref_slice %arg2[%dma_wait3A, %dma_wait3A_113, %dma_wait3A_114, %dma_wait3A_115] : memref<8x84x100x200xf32, #tpu.memory_space<hbm>> -> memref<1x5x1x128xf32, #tpu.memory_space<hbm>>
        %dma_wait3A_117 = arith.constant 0 : i32
        %dma_wait3A_118 = arith.constant 0 : i32
        %dma_wait3A_119 = arith.constant 0 : i32
        %dma_wait3A_120 = arith.constant 0 : i32
        %dma_wait3A_121 = tpu.memref_slice %arg2[%dma_wait3A_117, %dma_wait3A_118, %dma_wait3A_119, %dma_wait3A_120] : memref<8x84x100x200xf32, #tpu.memory_space<hbm>> -> memref<1x5x1x128xf32, #tpu.memory_space<hbm>>
        tpu.wait_dma2 semaphore(%run_scoped3A_103 : memref<!tpu.dma_semaphore, #tpu.memory_space<semaphore_mem>>) src(%dma_wait3A_121 : memref<1x5x1x128xf32, #tpu.memory_space<hbm>>) dst(%arg4 : memref<1x5x1x128xf32, #tpu.memory_space<vmem>>)
        tpu.yield
      }) : () -> ()
      %get3A = arith.constant 0 : i32
      %get3A_4 = arith.constant 0 : i32
      %get3A_5 = arith.constant 0 : i32
      %get3A_6 = arith.index_cast %get3A : i32 to index
      %get3A_7 = arith.index_cast %get3A_4 : i32 to index
      %get3A_8 = arith.index_cast %get3A_5 : i32 to index
      %get3A_9 = arith.constant 0 : index
      %get3A_10 = tpu.vector_load %arg4[%get3A_6, %get3A_7, %get3A_8, %get3A_9] {strides = array<i32>} : memref<1x5x1x128xf32, #tpu.memory_space<vmem>>, vector<1x1x1x16xf32>,
      %get3A_11 = vector.shape_cast %get3A_10 : vector<1x1x1x16xf32> to vector<16xf32>
      %slice3A = vector.extract_strided_slice %get3A_11 {offsets = [0], sizes = [1], strides = [1]} : vector<16xf32> to vector<1xf32>
      %squeeze3A = vector.extract %slice3A[0] : f32 from vector<1xf32>
      %get3A_12 = arith.constant 0 : i32
      %get3A_13 = arith.constant 1 : i32
      %get3A_14 = arith.constant 0 : i32
      %get3A_15 = arith.index_cast %get3A_12 : i32 to index
      %get3A_16 = arith.index_cast %get3A_13 : i32 to index
      %get3A_17 = arith.index_cast %get3A_14 : i32 to index
      %get3A_18 = arith.constant 0 : index
      %get3A_19 = tpu.vector_load %arg4[%get3A_15, %get3A_16, %get3A_17, %get3A_18] {strides = array<i32>} : memref<1x5x1x128xf32, #tpu.memory_space<vmem>>, vector<1x1x1x16xf32>,
      %get3A_20 = vector.shape_cast %get3A_19 : vector<1x1x1x16xf32> to vector<16xf32>
      %slice3A_21 = vector.extract_strided_slice %get3A_20 {offsets = [0], sizes = [1], strides = [1]} : vector<16xf32> to vector<1xf32>
      %squeeze3A_22 = vector.extract %slice3A_21[0] : f32 from vector<1xf32>
      %get3A_23 = arith.constant 0 : i32
      %get3A_24 = arith.constant 2 : i32
      %get3A_25 = arith.constant 0 : i32
      %get3A_26 = arith.index_cast %get3A_23 : i32 to index
      %get3A_27 = arith.index_cast %get3A_24 : i32 to index
      %get3A_28 = arith.index_cast %get3A_25 : i32 to index
      %get3A_29 = arith.constant 0 : index
      %get3A_30 = tpu.vector_load %arg4[%get3A_26, %get3A_27, %get3A_28, %get3A_29] {strides = array<i32>} : memref<1x5x1x128xf32, #tpu.memory_space<vmem>>, vector<1x1x1x16xf32>,
      %get3A_31 = vector.shape_cast %get3A_30 : vector<1x1x1x16xf32> to vector<16xf32>
      %slice3A_32 = vector.extract_strided_slice %get3A_31 {offsets = [0], sizes = [1], strides = [1]} : vector<16xf32> to vector<1xf32>
      %squeeze3A_33 = vector.extract %slice3A_32[0] : f32 from vector<1xf32>
      %get3A_34 = arith.constant 0 : i32
      %get3A_35 = arith.constant 3 : i32
      %get3A_36 = arith.constant 0 : i32
      %get3A_37 = arith.index_cast %get3A_34 : i32 to index
      %get3A_38 = arith.index_cast %get3A_35 : i32 to index
      %get3A_39 = arith.index_cast %get3A_36 : i32 to index
      %get3A_40 = arith.constant 0 : index
      %get3A_41 = tpu.vector_load %arg4[%get3A_37, %get3A_38, %get3A_39, %get3A_40] {strides = array<i32>} : memref<1x5x1x128xf32, #tpu.memory_space<vmem>>, vector<1x1x1x16xf32>,
      %get3A_42 = vector.shape_cast %get3A_41 : vector<1x1x1x16xf32> to vector<16xf32>
      %slice3A_43 = vector.extract_strided_slice %get3A_42 {offsets = [0], sizes = [1], strides = [1]} : vector<16xf32> to vector<1xf32>
      %squeeze3A_44 = vector.extract %slice3A_43[0] : f32 from vector<1xf32>
      %get3A_45 = arith.constant 0 : i32
      %get3A_46 = arith.constant 4 : i32
      %get3A_47 = arith.constant 0 : i32
      %get3A_48 = arith.index_cast %get3A_45 : i32 to index
      %get3A_49 = arith.index_cast %get3A_46 : i32 to index
      %get3A_50 = arith.index_cast %get3A_47 : i32 to index
      %get3A_51 = arith.constant 0 : index
      %get3A_52 = tpu.vector_load %arg4[%get3A_48, %get3A_49, %get3A_50, %get3A_51] {strides = array<i32>} : memref<1x5x1x128xf32, #tpu.memory_space<vmem>>, vector<1x1x1x16xf32>,
      %get3A_53 = vector.shape_cast %get3A_52 : vector<1x1x1x16xf32> to vector<16xf32>
      %slice3A_54 = vector.extract_strided_slice %get3A_53 {offsets = [0], sizes = [1], strides = [1]} : vector<16xf32> to vector<1xf32>
      %squeeze3A_55 = vector.extract %slice3A_54[0] : f32 from vector<1xf32>
      %mul3A = arith.constant 5.000000e-01 : f32
      %mul3A_56 = arith.mulf %squeeze3A_33, %mul3A : f32
      %mul3A_57 = arith.constant 5.000000e-01 : f32
      %mul3A_58 = arith.mulf %squeeze3A_44, %mul3A_57 : f32
      %sub3A = arith.subf %squeeze3A, %mul3A_56 : f32
      %max3A = arith.constant 0.000000e+00 : f32
      %max3A_59 = arith.maximumf %sub3A, %max3A : f32
      %min3A = arith.constant 2.000000e+02 : f32
      %min3A_60 = arith.minimumf %max3A_59, %min3A : f32
      %sub3A_61 = arith.subf %squeeze3A_22, %mul3A_58 : f32
      %max3A_62 = arith.constant 0.000000e+00 : f32
      %max3A_63 = arith.maximumf %sub3A_61, %max3A_62 : f32
      %min3A_64 = arith.constant 1.000000e+02 : f32
      %min3A_65 = arith.minimumf %max3A_63, %min3A_64 : f32
      %add3A = arith.addf %squeeze3A, %mul3A_56 : f32
      %max3A_66 = arith.constant 0.000000e+00 : f32
      %max3A_67 = arith.maximumf %add3A, %max3A_66 : f32
      %min3A_68 = arith.constant 2.000000e+02 : f32
      %min3A_69 = arith.minimumf %max3A_67, %min3A_68 : f32
      %add3A_70 = arith.addf %squeeze3A_22, %mul3A_58 : f32
      %max3A_71 = arith.constant 0.000000e+00 : f32
      %max3A_72 = arith.maximumf %add3A_70, %max3A_71 : f32
      %min3A_73 = arith.constant 1.000000e+02 : f32
      %min3A_74 = arith.minimumf %max3A_72, %min3A_73 : f32
      %iota3A = tpu.iota {dimensions = array<i32: 0>} : vector<16xi32>
      %broadcast_in_dim3A = arith.constant 0.000000e+00 : f32
      %broadcast_in_dim3A_75 = vector.broadcast %broadcast_in_dim3A : f32 to vector<16xf32>
      %eq3A_76 = arith.constant 1 : i32
      %eq3A_77 = vector.broadcast %eq3A_76 : i32 to vector<16xi32>
      %eq3A_78 = arith.cmpi eq, %iota3A, %eq3A_77 : vector<16xi32>
      %broadcast_in_dim3A_79 = vector.broadcast %min3A_60 : f32 to vector<16xf32>
      %select_n3A = arith.select %eq3A_78, %broadcast_in_dim3A_79, %broadcast_in_dim3A_75 : vector<16xi1>, vector<16xf32>
      %eq3A_80 = arith.constant 2 : i32
      %eq3A_81 = vector.broadcast %eq3A_80 : i32 to vector<16xi32>
      %eq3A_82 = arith.cmpi eq, %iota3A, %eq3A_81 : vector<16xi32>
      %broadcast_in_dim3A_83 = vector.broadcast %min3A_65 : f32 to vector<16xf32>
      %select_n3A_84 = arith.select %eq3A_82, %broadcast_in_dim3A_83, %select_n3A : vector<16xi1>, vector<16xf32>
      %eq3A_85 = arith.constant 3 : i32
      %eq3A_86 = vector.broadcast %eq3A_85 : i32 to vector<16xi32>
      %eq3A_87 = arith.cmpi eq, %iota3A, %eq3A_86 : vector<16xi32>
      %broadcast_in_dim3A_88 = vector.broadcast %min3A_69 : f32 to vector<16xf32>
      %select_n3A_89 = arith.select %eq3A_87, %broadcast_in_dim3A_88, %select_n3A_84 : vector<16xi1>, vector<16xf32>
      %eq3A_90 = arith.constant 4 : i32
      %eq3A_91 = vector.broadcast %eq3A_90 : i32 to vector<16xi32>
      %eq3A_92 = arith.cmpi eq, %iota3A, %eq3A_91 : vector<16xi32>
      %broadcast_in_dim3A_93 = vector.broadcast %min3A_74 : f32 to vector<16xf32>
      %select_n3A_94 = arith.select %eq3A_92, %broadcast_in_dim3A_93, %select_n3A_89 : vector<16xi1>, vector<16xf32>
      %eq3A_95 = arith.constant 5 : i32
      %eq3A_96 = vector.broadcast %eq3A_95 : i32 to vector<16xi32>
      %eq3A_97 = arith.cmpi eq, %iota3A, %eq3A_96 : vector<16xi32>
      %broadcast_in_dim3A_98 = vector.broadcast %squeeze3A_55 : f32 to vector<16xf32>
      %select_n3A_99 = arith.select %eq3A_97, %broadcast_in_dim3A_98, %select_n3A_94 : vector<16xi1>, vector<16xf32>
      %swap3A = arith.constant 0 : index
      %swap3A_100 = tpu.vector_load %arg5[%swap3A] {strides = array<i32>} : memref<16xf32, #tpu.memory_space<vmem>>, vector<16xf32>,
      %swap3A_101 = vector.shape_cast %swap3A_100 : vector<16xf32> to vector<16xf32>
      %swap3A_102 = vector.shape_cast %select_n3A_99 : vector<16xf32> to vector<16xf32>
      tpu.vector_store %arg5[%swap3A], %swap3A_102 {strides = array<i32>} : memref<16xf32, #tpu.memory_space<vmem>>, vector<16xf32>,
      %run_scoped3A = arith.constant 0 : i32
      "tpu.region"() ({
        %run_scoped3A_103 = tpu.sem_alloc : memref<!tpu.dma_semaphore, #tpu.memory_space<semaphore_mem>>
        %dma_start3A = arith.constant 0 : i32
        %dma_start3A_104 = tpu.memref_slice %arg5[%dma_start3A] : memref<16xf32, #tpu.memory_space<vmem>> -> memref<7xf32, #tpu.memory_space<vmem>>
        %dma_start3A_105 = arith.constant 0 : i32
        %dma_start3A_106 = tpu.memref_slice %arg3[%run_scoped3A, %dma_start3A_105] : memref<1x7xf32, #tpu.memory_space<hbm>> -> memref<1x7xf32, #tpu.memory_space<hbm>>
        %dma_start3A_107 = tpu.memref_squeeze %dma_start3A_106 : memref<1x7xf32, #tpu.memory_space<hbm>> -> memref<7xf32, #tpu.memory_space<hbm>>
        %dma_start3A_108 = arith.constant 0 : i32
        %dma_start3A_109 = tpu.memref_slice %arg3[%run_scoped3A, %dma_start3A_108] : memref<1x7xf32, #tpu.memory_space<hbm>> -> memref<1x7xf32, #tpu.memory_space<hbm>>
        %dma_start3A_110 = tpu.memref_squeeze %dma_start3A_109 : memref<1x7xf32, #tpu.memory_space<hbm>> -> memref<7xf32, #tpu.memory_space<hbm>>
        %dma_start3A_111 = arith.constant 0 : i32
        %dma_start3A_112 = tpu.memref_slice %arg5[%dma_start3A_111] : memref<16xf32, #tpu.memory_space<vmem>> -> memref<7xf32, #tpu.memory_space<vmem>>
        tpu.enqueue_dma source(%dma_start3A_112 : memref<7xf32, #tpu.memory_space<vmem>>) target(%dma_start3A_110 : memref<7xf32, #tpu.memory_space<hbm>>) target_semaphore(%run_scoped3A_103 : memref<!tpu.dma_semaphore, #tpu.memory_space<semaphore_mem>>)
        %dma_wait3A = arith.constant 0 : i32
        %dma_wait3A_113 = tpu.memref_slice %arg5[%dma_wait3A] : memref<16xf32, #tpu.memory_space<vmem>> -> memref<7xf32, #tpu.memory_space<vmem>>
        %dma_wait3A_114 = arith.constant 0 : i32
        %dma_wait3A_115 = tpu.memref_slice %arg3[%run_scoped3A, %dma_wait3A_114] : memref<1x7xf32, #tpu.memory_space<hbm>> -> memref<1x7xf32, #tpu.memory_space<hbm>>
        %dma_wait3A_116 = tpu.memref_squeeze %dma_wait3A_115 : memref<1x7xf32, #tpu.memory_space<hbm>> -> memref<7xf32, #tpu.memory_space<hbm>>
        %dma_wait3A_117 = arith.constant 0 : i32
        %dma_wait3A_118 = tpu.memref_slice %arg3[%run_scoped3A, %dma_wait3A_117] : memref<1x7xf32, #tpu.memory_space<hbm>> -> memref<1x7xf32, #tpu.memory_space<hbm>>
        %dma_wait3A_119 = tpu.memref_squeeze %dma_wait3A_118 : memref<1x7xf32, #tpu.memory_space<hbm>> -> memref<7xf32, #tpu.memory_space<hbm>>
        %dma_wait3A_120 = arith.constant 0 : i32
        %dma_wait3A_121 = tpu.memref_slice %arg5[%dma_wait3A_120] : memref<16xf32, #tpu.memory_space<vmem>> -> memref<7xf32, #tpu.memory_space<vmem>>
        tpu.wait_dma2 semaphore(%run_scoped3A_103 : memref<!tpu.dma_semaphore, #tpu.memory_space<semaphore_mem>>) src(%dma_wait3A_121 : memref<7xf32, #tpu.memory_space<vmem>>) dst(%dma_wait3A_119 : memref<7xf32, #tpu.memory_space<hbm>>)
        tpu.yield
      }) : () -> ()
    } else {
    }
    return
  }
}

</mosaic_0001>

<sc_bundles>
// kernel: kernel.3.cloned.1.call-start
scs
__scs_entry_jumppad:
0x0: {  	(pc) =	sbr.rel $0x88, $3  }
0x1: {  	(tag) =	ssettag $0x0;
	lr =	simm.s32 $0x1  }
0x2: {  	[smem:$0x3FA0] =	sst lr;
	_ =	strace $0xD0000000  }
0x3: {  	_ = 	snop  }
0x4: {  	_ = 	snop  }
0x5: {  	_ = 	snop  }
0x6: {  	_ = 	snop  }
0x7: {  	_ = 	snop  }
__scs_overlays_trampoline_lowered:
0x8: {  	[smem:$0x3FAF] =	sst s0  }
0x9: {  	[smem:$0x3FB0] =	sst s1  }
0xa: {  	[smem:$0x3FB1] =	sst s2  }
0xb: {  	[smem:$0x3FB2] =	sst s3  }
0xc: {  	[smem:$0x3FB3] =	sst s4  }
0xd: {  	[smem:$0x3FB4] =	sst s5  }
0xe: {  	[smem:$0x3FB5] =	sst s6  }
0xf: {  	[smem:$0x3FB6] =	sst s7  }
0x10: {  	[smem:$0x3FB7] =	sst s8  }
0x11: {  	[smem:$0x3FB8] =	sst s9;
	s0 =	simm.s32 @!p0 $0x0  }
0x12: {  	s1 =	sld [smem:$0x3F9E];
	s0 =	simm.s32 @p0 $0x1  }
0x13: {  	[smem:$0x3FB9] =	sst s0;
	s0 =	simm.s32 @!p1 $0x0  }
0x14: {  	s2 =	sld [smem:$0x3F9D];
	s0 =	simm.s32 @p1 $0x1  }
0x15: {  	[smem:$0x3FBA] =	sst s0;
	s0 =	simm.s32 @!p2 $0x0  }
0x16: {  	s3 =	sld [smem:$0x3FDB];
	s0 =	simm.s32 @p2 $0x1  }
0x17: {  	s4 =	simm.s32 $0x1BF5;
	[smem:$0x3FBC] =	sst s0  }
0x18: {  	s0 =	sld [smem:$0x3F9F];
	_ =	swait.ge [sflag:s4], $0x0  }
0x19: {  	s7 =	sld [smem:$0x3FA0]  }
0x1a: {  	s8 =	sadd.s32 $0xFFFFE003, lr  }
0x1b: {  	s9 =	sadd.s32 $0xFFFFFEF7, lr;
	s5 =	simm.s32 $0xFFFFFFFF;
	p2 =	slt.u32 s8, $0xFFFFF086  }
0x1c: {  	p1 =	slt.u32 s9, $0xF7A;
	s5 =	simm.s32 @!p2 $0x0  }
0x1d: {  	s5 =	simm.s32 @p1 $0x1;
	p0 =	seq.s32 s7, s2  }
0x1e: {  	s7 =	smul.u32 @!p0 $0xF7A, s2;
	p2 =	seq.s32 @!p0 s5, $0x0  }
0x1f: {  	s9 =	smul.u32 $0xF7A, s1;
	s8 =	simm.s32 @!p0 $0x1BF5;
	p2 =	por !p2, p0  }
0x20: {  	[sflag:s8] =	ssyncset.s32 @!p0 $0xFFFFF086;
	s6 =	sadd.s32 @!p0 s3, s7;
	s7 =	simm.s32 @!p0 $0x108  }
0x21: {  	s3 =	sadd.s32 s3, s9;
	s6 =	sadd.s32 @!p0 $0x88, s6;
	s7 =	simm.s32 @p2 $0x1082  }
0x22: {  	[simem:s7], [sflag:s8] =	dma.local @!p0 [hbm:s6], $0xF7A  }
0x23: {  	s9 =	sor.u32 $0xD0000000, s2;
	s6 =	simm.s32 $0x108;
	_ =	swait.ge @!p0 [sflag:s8], $0x0  }
0x24: {  	s3 =	sadd.s32 $0x88, s3;
	s6 =	simm.s32 @!p1 $0x1082;
	[sflag:s4] =	ssyncset.s32 $0xFFFFF086  }
0x25: {  	[simem:s6], [sflag:s4] =	dma.local [hbm:s3], $0xF7A  }
0x26: {  	[smem:$0x3FA0] =	sst s1;
	(tag) =	ssettag s2;
	_ =	strace s9  }
0x27: {  	s1 =	sld [smem:$0x3FB0]  }
0x28: {  	s2 =	sld [smem:$0x3FB1]  }
0x29: {  	s4 =	sld [smem:$0x3FB3]  }
0x2a: {  	p0 =	seq.s32 s5, $0x0;
	s5 =	sld [smem:$0x3FB4]  }
0x2b: {  	s6 =	sld [smem:$0x3FB5]  }
0x2c: {  	s7 =	sld [smem:$0x3FB6]  }
0x2d: {  	s3 =	simm.s32 $0x108;
	s8 =	sld [smem:$0x3FB7]  }
0x2e: {  	s3 =	simm.s32 @!p0 $0x1082;
	s9 =	sld [smem:$0x3FB8]  }
0x2f: {  	lr =	sadd.s32 s0, s3;
	s0 =	sld [smem:$0x3FAF]  }
0x30: {  	s3 =	sld [smem:$0x3FB2]  }
0x31: {  	[smem:$0x3FBB] =	sst s10  }
0x32: {  	s10 =	sld [smem:$0x3FB9];
	_ =	sdelay $0x3  }
0x33: {  	p0 =	seq.s32 s10, $0x1;
	s10 =	sld [smem:$0x3FBB];
	_ =	sdelay $0x3  }
0x34: {  	[smem:$0x3FBB] =	sst s10  }
0x35: {  	s10 =	sld [smem:$0x3FBA];
	_ =	sdelay $0x3  }
0x36: {  	p1 =	seq.s32 s10, $0x1;
	s10 =	sld [smem:$0x3FBB];
	_ =	sdelay $0x3  }
0x37: {  	[smem:$0x3FBB] =	sst s10  }
0x38: {  	s10 =	sld [smem:$0x3FBC]  }
0x39: {  	_ = 	snop;
	(pc) =	sbr.ind lr, $3  }
0x3a: {  	_ = 	snop  }
0x3b: {  	_ = 	snop  }
0x3c: {  	p2 =	seq.s32 s10, $0x1;
	s10 =	sld [smem:$0x3FBB]  }
0x3d: {  	_ =	shalt  }
0x3e: {  	_ =	shalt  }
0x3f: {  	_ =	shalt  }
0x40: {  	_ =	shalt  }
0x41: {  	_ =	shalt  }
0x42: {  	_ =	shalt  }
0x43: {  	_ =	shalt  }
0x44: {  	_ =	shalt  }
0x45: {  	_ =	shalt  }
0x46: {  	_ =	shalt  }
0x47: {  	_ =	shalt  }
0x48: {  	_ =	shalt  }
0x49: {  	_ =	shalt  }
0x4a: {  	_ =	shalt  }
0x4b: {  	_ =	shalt  }
0x4c: {  	_ =	shalt  }
0x4d: {  	_ =	shalt  }
0x4e: {  	_ =	shalt  }
0x4f: {  	_ =	shalt  }
0x50: {  	_ =	shalt  }
0x51: {  	_ =	shalt  }
0x52: {  	_ =	shalt  }
0x53: {  	_ =	shalt  }
0x54: {  	_ =	shalt  }
0x55: {  	_ =	shalt  }
0x56: {  	_ =	shalt  }
0x57: {  	_ =	shalt  }
0x58: {  	_ =	shalt  }
0x59: {  	_ =	shalt  }
0x5a: {  	_ =	shalt  }
0x5b: {  	_ =	shalt  }
0x5c: {  	_ =	shalt  }
0x5d: {  	_ =	shalt  }
0x5e: {  	_ =	shalt  }
0x5f: {  	_ =	shalt  }
0x60: {  	_ =	shalt  }
0x61: {  	_ =	shalt  }
0x62: {  	_ =	shalt  }
0x63: {  	_ =	shalt  }
0x64: {  	_ =	shalt  }
0x65: {  	_ =	shalt  }
0x66: {  	_ =	shalt  }
0x67: {  	_ =	shalt  }
0x68: {  	_ =	shalt  }
0x69: {  	_ =	shalt  }
0x6a: {  	_ =	shalt  }
0x6b: {  	_ =	shalt  }
0x6c: {  	_ =	shalt  }
0x6d: {  	_ =	shalt  }
0x6e: {  	_ =	shalt  }
0x6f: {  	_ =	shalt  }
0x70: {  	_ =	shalt  }
0x71: {  	_ =	shalt  }
0x72: {  	_ =	shalt  }
0x73: {  	_ =	shalt  }
0x74: {  	_ =	shalt  }
0x75: {  	_ =	shalt  }
0x76: {  	_ =	shalt  }
0x77: {  	_ =	shalt  }
0x78: {  	_ =	shalt  }
0x79: {  	_ =	shalt  }
0x7a: {  	_ =	shalt  }
0x7b: {  	_ =	shalt  }
0x7c: {  	_ =	shalt  }
0x7d: {  	_ =	shalt  }
0x7e: {  	_ =	shalt  }
0x7f: {  	_ =	shalt  }
0x80: {  	_ =	shalt  }
0x81: {  	_ =	shalt  }
0x82: {  	_ =	shalt  }
0x83: {  	_ =	shalt  }
0x84: {  	_ =	shalt  }
0x85: {  	_ =	shalt  }
0x86: {  	_ =	shalt  }
0x87: {  	_ =	shalt  }
.Lfunc_end0:
.L_simem_size_0:
called_computation_lowered:
.L_overlay_start_0:
0x88: {  	s0 =	sld [smem:$0x3FD9]  }
0x89: {  	s1 =	sld [smem:$0x3FFE];
	_ =	sdelay $0x3  }
0x8a: {  	s0 =	sadd.s32 s1, s0  }
0x8b: {  	[smem:$0x3FC7] =	sst s0  }
0x8c: {  	_ = 	snop  }
0x8d: {  	s0 =	sld [smem:$0x3FD0];
	(tm) =	ssettm $0x1  }
0x8e: {  	s16 =	sld [smem:$0x3FFB];
	_ =	sdelay $0x3  }
0x8f: {  	_ =	strace s16  }
0x90: {  	s1 =	sld [smem:$0x3FFC];
	_ =	sdelay $0x3  }
0x91: {  	_ =	strace s1  }
0x92: {  	s1 =	sld [smem:$0x3FFD];
	_ =	sdelay $0x3  }
0x93: {  	_ =	strace s1  }
0x94: {  	_ =	strace $0x8FFFFFFF  }
0x95: {  	s17 =	sld [smem:$0x3FDB];
	_ =	sdelay $0x1  }
0x96: {  	s2 =	simm.s32 $_scs_section_size  }
0x97: {  	s3 =	simm.s32 $_size__tile_overlayer_lowered;
	s4 =	simm.s32 $_tile_overlayer_lowered  }
0x98: {  	s20 =	simm.s32 $0x1BFF;
	s19 =	sshll.u32 s4, $0x1;
	s1 =	sadd.s32 s2, s17  }
0x99: {  	s5 =	simm.s32 $0x0;
	s18 =	sshll.u32 s3, $0x1;
	s3 =	sadd.s32 s19, s1  }
0x9a: {  	[timem:s5], [sflag:s20] =	dma.local [hbm:s3], s18  }
0x9b: {  	_ =	swait.ge [sflag:s20], s18  }
0x9c: {  	s2 =	ssub.s32 $0x0, s18;
	[sflag:s20] =	ssyncset.done $0x0  }
0x9d: {  	[sflag:s20] =	ssyncadd.s32 s2;
	_ =	sdelay $0x1  }
0x9e: {  	s21 =	simm.s32 $0x1B8B  }
0x9f: {  	_ =	swait.ge [sflag:s21], $0x1  }
0xa0: {  	[sflag:s21] =	ssyncset.done $0x0  }
0xa1: {  	s23 =	simm.s32 $0x1B8E;
	s22 =	sld [smem:$0x3FFE];
	[sflag:s21] =	ssyncadd.s32 $0xFFFFFFFF  }
0xa2: {  	s24 =	simm.s32 $execute0_lowered;
	[smem:$0x3FD2] =	sst s23  }
0xa3: {  	s3 =	sshll.u32 s24, $0x1;
	_ =	strace $0x80000046;
	[dreg:$0x1] =	wrdreg $0xFFFFFFFF  }
0xa4: {  	s25 =	simm.s32 $_size_execute0_lowered;
	s1 =	sadd.s32 s1, s3;
	[dreg:$0x0] =	wrdreg $0x0  }
0xa5: {  	s3 =	sshll.u32 s25, $0x1;
	[dreg:$0x2] =	wrdreg s1  }
0xa6: {  	[dreg:$0x3] =	wrdreg s3  }
0xa7: {  	[dreg:$0x4] =	wrdreg $0xC0  }
0xa8: {  	_ =	task [dreg:s5], $0x5FFFF  }
0xa9: {  	[dreg:$0x1] =	wrdreg $0xFFFFFFFF  }
0xaa: {  	[dreg:$0x0] =	wrdreg $0x60  }
0xab: {  	[dreg:$0x2] =	wrdreg s22  }
0xac: {  	[dreg:$0x3] =	wrdreg s0  }
0xad: {  	[dreg:$0x4] =	wrdreg $0x9  }
0xae: {  	_ =	task.clear_ibuf [dreg:s5], $0x5FFFF;
	_ =	strace $0x90000046  }
0xaf: {  	s26 =	simm.s32 $0x9;
	_ =	strace $0x80000048  }
0xb0: {  	_ =	swait.ge [sflag:s26], $0x1  }
0xb1: {  	[sflag:s26] =	ssyncadd.s32 $0xFFFFFFFF  }
0xb2: {  	_ =	strace $0x90000048  }
0xb3: {  	_ =	sfence  }
0xb4: {  	s28 =	sld [smem:$0x0];
	_ =	sdelay $0x1  }
0xb5: {  	s29 =	srdreg.scid  }
0xb6: {  	s30 =	sshll.u32 s29, $0xD;
	s31 =	sshrl.u32 s29, $0x2  }
0xb7: {  	s2 =	sand.u32 $0x4000, s30;
	s1 =	sand.u32 $0x1, s29;
	s0 =	sadd.s32 s31, s28  }
0xb8: {  	s1 =	sor.u32 s2, s1;
	s0 =	sshll.u32 s0, $0x11  }
0xb9: {  	s0 =	sor.u32 s0, s1  }
0xba: {  	s0 =	sadd.s32 $0x8F2B, s0  }
0xbb: {  	[sflag:s0] =	ssyncadd.remote.s32 $0x1  }
0xbc: {  	_ =	sfence.sel $0xFFFF  }
0xbd: {  	[dreg:$0x0] =	wrdreg $0xFFFFFFFF;
	(pc) =	sbr.abs _section_cstart, $3  }
0xbe: {  	[dreg:$0x1] =	wrdreg $0xFFFFFFFF  }
0xbf: {  	_ =	task.clear_ibuf [dreg:s5], $0x2FFFF;
	_ =	strace $0x9FFFFFFF  }
0xc0: {  	(tm) =	ssettm $0x7FFFFFFF  }
0xc1: {  	_ =	shalt  }
tec
execute0_lowered:
.L_overlay_start_1:
0x0: {  	(tag) =	ssettag $0x1  }
0x1: {  	s1 =	rddreg [dreg:$0x0]  }
0x2: {  	s2 =	rddreg [dreg:$0x1]  }
0x3: {  	s0 =	rddreg [dreg:$0x2];
	s3 =	simm.s32 $0x0  }
0x4: {  	s31 =	stileid.u32;
	[smem:$0x7FF] =	sst s3  }
0x5: {  	s1 =	sadd.s32 $0x400, s1;
	p0 =	sne.s32 s31, $0x0;
	_ =	strace $0x80000047  }
0x6: {  	s3 =	simm.s32 @!p0 $0x80;
	s4 =	simm.s32 @!p0 $0x6800;
	s5 =	simm.s32 @!p0 $0x0  }
0x7: {  	[tilespmem:s5], [sflag:$0x1] =	stream.strided.gather @!p0 [hbm4b:s1+s3], $0x280, s4, s3, $0x38;
	[tilespmem:$0x300] =	vst v63  }
0x8: {  	s1 =	simm.s32 @!p0 $0x1  }
0x9: {  	_ =	swait.ge @!p0 [sflag:s1], $0x280  }
0xa: {  	[sflag:s1] =	ssyncset.done @!p0 $0x0  }
0xb: {  	[sflag:s1] =	ssyncadd.s32 @!p0 $0xFFFFFD80  }
0xc: {  	v0 =	vld @!p0 [tilespmem:$0x0]  }
0xd: {  	v1 =	vld @!p0 [tilespmem:$0x80]  }
0xe: {  	v2 =	vld @!p0 [tilespmem:$0x100];
	_ =	sdelay $0x1  }
0xf: {  	v3 =	vld @!p0 [tilespmem:$0x180]  }
0x10: {  	(v2sf) =	vpush @!p0 v0, $0x0  }
0x11: {  	(v2sf) =	vpush @!p0 v1, $0x0  }
0x12: {  	(v2sf) =	vpush @!p0 v2, $0x0;
	_ =	sdelay $0x1  }
0x13: {  	(v2sf) =	vpush @!p0 v3, $0x0;
	_ =	sdelay $0xa  }
0x14: {  	s3 =	spop @!p0 (v2sf)  }
0x15: {  	s4 =	spop @!p0 (v2sf)  }
0x16: {  	s6 =	spop @!p0 (v2sf)  }
0x17: {  	s6 =	smul.f32 @!p0 $5.000000000e-01, s6  }
0x18: {  	s7 =	spop @!p0 (v2sf)  }
0x19: {  	s7 =	smul.f32 @!p0 $5.000000000e-01, s7;
	s8 =	ssub.f32 @!p0 s3, s6  }
0x1a: {  	_ = 	snop  }
0x1b: {  	s9 =	ssub.f32 @!p0 s4, s7;
	s8 =	smax.f32 @!p0 s8, $0.0e+00  }
0x1c: {  	s3 =	sadd.f32 @!p0 s6, s3;
	s8 =	smin.f32 @!p0 s8, $2.000000000e+02  }
0x1d: {  	vm0 =	vcmask @!p0 $0x704;
	v1 =	vld.msk @!p0 [tilespmem:$0x200 ss:$0x0], $0xffff;
	s4 =	sadd.f32 @!p0 s7, s4;
	s6 =	smax.f32 @!p0 s9, $0.0e+00;
	v0 =	vmov @!p0 s8  }
0x1e: {  	s3 =	smax.f32 @!p0 s3, $0.0e+00;
	s6 =	smin.f32 @!p0 s6, $1.000000000e+02;
	v0 =	vnsel @!p0 vm0, $0x0, v0;
	vm0 =	vcmask @!p0 $0xB08  }
0x1f: {  	s3 =	smin.f32 @!p0 s3, $2.000000000e+02;
	s4 =	smax.f32 @!p0 s4, $0.0e+00;
	v0 =	vsel @!p0 vm0, s6, v0;
	vm0 =	vcmask @!p0 $0xF0C  }
0x20: {  	s4 =	smin.f32 @!p0 s4, $1.000000000e+02;
	v0 =	vsel @!p0 vm0, s3, v0;
	vm0 =	vcmask @!p0 $0x1310  }
0x21: {  	v0 =	vsel @!p0 vm0, s4, v0;
	vm0 =	vcmask @!p0 $0x1714  }
0x22: {  	v0 =	vsel @!p0 vm0, v1, v0  }
0x23: {  	s3 =	simm.s32 @!p0 $0x280;
	[tilespmem:$0x280] =	vst @!p0 v0  }
0x24: {  	[hbm4b:s2+s5] =	stream.linear.scatter @!p0 [tilespmem:s3], [sflag:$0x1], $0x7, $0x38;
	[tilespmem:$0x300] =	vst v63  }
0x25: {  	_ =	swait.ge @!p0 [sflag:s1], $0x7  }
0x26: {  	[sflag:s1] =	ssyncset.done @!p0 $0x0  }
0x27: {  	[sflag:s1] =	ssyncadd.s32 @!p0 $0xFFFFFFF9  }
0x28: {  	_ =	sfence.sel $0x180000  }
0x29: {  	[bflag:$0x0] =	sbarrier.arrive $0xFFFF  }
0x2a: {  	_ =	strace $0x90000047  }
0x2b: {  	s0 =	sadd.s32 @!p0 $0x100000, s0;
	[bflag:$0x2] =	sbarrier.arrive $0xFFFF  }
0x2c: {  	[sflag:s0] =	ssyncadd.tile.s32 @!p0 $0x1;
	_ =	shalt  }
.Lfunc_end2:
_tile_overlayer_lowered:
.L_overlay_start_2:
0x2d: {  	(tag) =	ssettag $0x2  }
0x2e: {  	s0 =	rddreg [dreg:$0x0];
	s2 =	stileid.u32  }
0x2f: {  	s1 =	rddreg [dreg:$0x1];
	p0 =	sne.s32 s2, $0x0  }
0x30: {  	s3 =	rddreg [dreg:$0x2];
	[bflag:$0x3] =	sbarrier.arrive $0xFFFF;
	s2 =	simm.s32 @!p0 $0x1C01  }
0x31: {  	[timem:s3], [sflag:s2] =	dma.local @!p0 [hbm:s0], s1  }
0x32: {  	s0 =	simm.s32 @!p0 $0x1  }
0x33: {  	_ =	swait.ge @!p0 [sflag:s0], s1  }
0x34: {  	s1 =	ssub.s32 @!p0 $0x0, s1;
	[sflag:s0] =	ssyncset.done @!p0 $0x0  }
0x35: {  	[sflag:s0] =	ssyncadd.s32 @!p0 s1  }
0x36: {  	[bflag:$0x3] =	sbarrier.arrive $0xFFFF  }
0x37: {  	_ =	shalt  }

</sc_bundles>
